<compile_context>
chip_gen: v7x
topology: tpu7x:2x2x1
jax: 0.10.2.dev20260603
libtpu: 0.0.44.dev20260713+nightly
codegen_flags: <defaults>
</compile_context>

<pallas_src>
import functools

import jax
import jax.numpy as jnp
from jax import lax
from jax.experimental import pallas as pl
from jax.experimental.pallas import tpu as pltpu
from jax.experimental.pallas import tpu_sc as plsc

_NC = 2
_NS = 16
_NW = _NC * _NS
_L = 16
_YPAD = 128


def _fwd_body(U, H, T, BLK, data_ref, w_all_ref, linw_ref, linb_ref, y_ref):
    wc = jnp.concatenate(
        [jnp.dot(w_all_ref[u], linw_ref[u * H:(u + 1) * H, :],
                 preferred_element_type=jnp.float32) for u in range(U)],
        axis=0)
    y = jnp.dot(data_ref[...], wc, preferred_element_type=jnp.float32)
    y = y + linb_ref[...][None, :]
    y_ref[...] = jnp.concatenate(
        [y, jnp.zeros((BLK, _YPAD - T), jnp.float32)], axis=1)


def _loss_body(B, T, out_ref, tgt_ref, loss_ref):
    d = out_ref[...] - tgt_ref[...]
    loss_ref[...] = jnp.reshape(jnp.sum(d * d) * (1.0 / (B * T)), (1, 1))


def kernel(data, mem, W, linW, linb, target, sample_id):
    M = mem.shape[1]
    del mem
    U, DIN, H = W.shape
    B = data.shape[0]
    T = linW.shape[1]
    BLK = 2048
    b_per_w = B // _NW
    PART = ((M + _NS - 1) // _NS + 7) // 8 * 8
    MPAD = PART * _NS

    y_pad = pl.pallas_call(
        functools.partial(_fwd_body, U, H, T, BLK),
        grid=(B // BLK,),
        in_specs=[
            pl.BlockSpec((BLK, U * DIN), lambda i: (i, 0)),
            pl.BlockSpec((U, DIN, H), lambda i: (0, 0, 0)),
            pl.BlockSpec((U * H, T), lambda i: (0, 0)),
            pl.BlockSpec((T,), lambda i: (0,)),
        ],
        out_specs=pl.BlockSpec((BLK, _YPAD), lambda i: (i, 0)),
        out_shape=jax.ShapeDtypeStruct((B, _YPAD), jnp.float32),
    )(data, W, linW, linb)

    mesh = plsc.VectorSubcoreMesh(core_axis_name="c", subcore_axis_name="s")

    @functools.partial(
        pl.kernel, mesh=mesh,
        compiler_params=pltpu.CompilerParams(needs_layout_passes=False),
        out_type=jax.ShapeDtypeStruct((B, _YPAD), jnp.float32),
        scratch_types=[
            pltpu.VMEM((B,), jnp.int32),
            pltpu.VMEM((PART,), jnp.int32),
            pltpu.VMEM((b_per_w,), jnp.int32),
            pltpu.VMEM((b_per_w, _YPAD), jnp.float32),
            pltpu.VMEM_SHARED((MPAD,), jnp.int32),
            pltpu.SemaphoreType.DMA,
        ],
    )
    def _sc_route(sid_hbm, y_hbm, out_hbm,
                  sid_v, tab_v, wid_v, rows_v, tab_sh, sem):
        s = lax.axis_index("s")
        c = lax.axis_index("c")
        worker = s * _NC + c
        lo = s * PART
        lanes = lax.iota(jnp.int32, _L)
        nvec = B // _L

        pltpu.sync_copy(sid_hbm, sid_v)

        @plsc.parallel_loop(0, nvec, unroll=8, carry=jnp.int32(0))
        def _ignored(k, z):
            sv = sid_v[pl.ds(k * _L, _L)]
            bv = lanes + k * _L
            idx = sv - lo
            m = (idx >= 0) & (idx < PART)
            plsc.store_scatter(tab_v, [idx], bv, mask=m)
            return z

        def _not_done(err):
            return jnp.sum(err) > 0

        def _sweep(_):
            @plsc.parallel_loop(0, nvec, unroll=8,
                                carry=jnp.zeros((_L,), jnp.int32))
            def err(k, e):
                sv = sid_v[pl.ds(k * _L, _L)]
                bv = lanes + k * _L
                idx = sv - lo
                m = (idx >= 0) & (idx < PART)
                g = plsc.load_gather(tab_v, [idx], mask=m)
                m2 = m & (g < bv)
                plsc.store_scatter(tab_v, [idx], bv, mask=m2)
                return e + plsc.all_reduce_population_count(m2)

            return err

        lax.while_loop(_not_done, _sweep, jnp.ones((_L,), jnp.int32))

        pltpu.sync_copy(tab_v, tab_sh.at[pl.ds(lo, PART)])
        plsc.subcore_barrier()

        base = worker * b_per_w
        pltpu.async_copy(
            tab_sh.at[sid_v.at[pl.ds(base, b_per_w)]], wid_v, sem).wait()
        pltpu.async_copy(y_hbm.at[wid_v], rows_v, sem).wait()
        pltpu.sync_copy(rows_v, out_hbm.at[pl.ds(base, b_per_w)])

    out_pad = _sc_route(sample_id, y_pad)
    out = out_pad[:, :T]

    loss = pl.pallas_call(
        functools.partial(_loss_body, B, T),
        in_specs=[
            pl.BlockSpec((B, T), lambda: (0, 0)),
            pl.BlockSpec((B, T), lambda: (0, 0)),
        ],
        out_specs=pl.BlockSpec((1, 1), lambda: (0, 0)),
        out_shape=jax.ShapeDtypeStruct((1, 1), jnp.float32),
    )(out, target)

    return out, loss[0, 0]

# --- scband reference (transcript-rebuilt; emitter-appended) ---
"""Pipeline reference for scband-vafl-506806141409 (READ-ONLY COPY).

The authoritative reference and input builder live on the scoring server;
editing this copy changes nothing except your own understanding.
"""

import jax, jax.numpy as jnp
import numpy as np

U = 4
H = 256
DIN = 128
B = 4096
M = 100000
T = 10


def setup_inputs(seed: int = 0) -> dict:
    key = jax.random.key(seed)
    ks = jax.random.split(key, 6)
    data = jax.random.normal(ks[0], (B, U * DIN), dtype=jnp.float32)
    mem = jnp.zeros((U, M, H), dtype=jnp.float32)
    W = jax.random.normal(ks[1], (U, DIN, H), dtype=jnp.float32) * 0.05
    linW = jax.random.normal(ks[2], (U * H, T), dtype=jnp.float32) * 0.02
    linb = jnp.zeros((T,), dtype=jnp.float32)
    target = jax.random.normal(ks[3], (B, T), dtype=jnp.float32)
    sample_id = jax.random.randint(ks[4], (B,), 0, M, dtype=jnp.int32)
    return {
        'data': data,
        'mem': mem,
        'W': W,
        'linW': linW,
        'linb': linb,
        'target': target,
        'sample_id': sample_id,
    }


def reference(data, mem, W, linW, linb, target, sample_id):
    # Per-user feature blocks: each user i sees a vertical slice of features
    # and writes its embedding into its buffer row at positions sample_id
    # (Buffer.update -> scatter-overwrite).
    nu = W.shape[0]
    din = W.shape[1]
    for i in range(nu):
        x_i = data[:, i * din:(i + 1) * din] @ W[i]  # [B, H]
        mem = mem.at[i, sample_id].set(x_i)
    # Buffer.get: gather buffer[arange(num_users)[:,None], sample_id[None,:], :]
    org = jnp.arange(nu)
    x = mem[org[:, None], sample_id[None, :], :]  # [U, B, H]
    # x.permute(1, 0, 2).reshape(B, -1)
    x = jnp.transpose(x, (1, 0, 2)).reshape(data.shape[0], -1)  # [B, U*H]
    out = x @ linW + linb  # output['target']
    loss = jnp.mean((out - target) ** 2)  # output['loss'] (MSE loss_fn)
    return out, loss

if __name__ == "__main__":
    import jax
    _d = setup_inputs()
    print(jax.jit(kernel)(*tuple(_d.values())))

</pallas_src>

<mosaic_0001>
#map = affine_map<(d0, d1) -> (0)>
#map1 = affine_map<(d0, d1) -> (0, 0)>
module attributes {stable_mosaic.version = 14 : i64} {
  func.func @_sc_route(%arg0: i32, %arg1: i32, %arg2: memref<4096xi32, #tpu.memory_space<hbm>>, %arg3: memref<4096x128xf32, #tpu.memory_space<hbm>>, %arg4: memref<4096x128xf32, #tpu.memory_space<hbm>>, %arg5: memref<4096xi32, #tpu.memory_space<vmem>>, %arg6: memref<6256xi32, #tpu.memory_space<vmem>>, %arg7: memref<128xi32, #tpu.memory_space<vmem>>, %arg8: memref<128x128xf32, #tpu.memory_space<vmem>>, %arg9: memref<100096xi32, #tpu.memory_space<vmem_shared>>, %arg10: memref<!tpu.dma_semaphore, #tpu.memory_space<semaphore_mem>>) attributes {dimension_semantics = [#tpu.dimension_semantics<core_parallel>, #tpu.dimension_semantics<subcore_parallel>], iteration_bounds = array<i64: 2, 16>, scalar_prefetch = 0 : i64, scratch_operands = 6 : i64, tpu.core_type = #tpu.core_type<sc_vector_subcore>, window_params = [{transform_indices = #map}, {transform_indices = #map1}, {transform_indices = #map1}]} {
    %mul3A = arith.constant 2 : i32
    %mul3A_0 = arith.muli %arg1, %mul3A : i32
    %add3A = arith.addi %mul3A_0, %arg0 : i32
    %mul3A_1 = arith.constant 6256 : i32
    %mul3A_2 = arith.muli %arg1, %mul3A_1 : i32
    %iota3A = tpu.iota {dimensions = array<i32: 0>} : vector<16xi32>
    "tpu.region"() ({
      %run_scoped3A = tpu.sem_alloc : memref<!tpu.dma_semaphore, #tpu.memory_space<semaphore_mem>>
      tpu.enqueue_dma source(%arg2 : memref<4096xi32, #tpu.memory_space<hbm>>) target(%arg5 : memref<4096xi32, #tpu.memory_space<vmem>>) target_semaphore(%run_scoped3A : memref<!tpu.dma_semaphore, #tpu.memory_space<semaphore_mem>>)
      tpu.wait_dma2 semaphore(%run_scoped3A : memref<!tpu.dma_semaphore, #tpu.memory_space<semaphore_mem>>) src(%arg2 : memref<4096xi32, #tpu.memory_space<hbm>>) dst(%arg5 : memref<4096xi32, #tpu.memory_space<vmem>>)
      tpu.yield
    }) : () -> ()
    %parallel_loop3A = arith.constant 0 : i32
    %parallel_loop3A_3 = arith.constant 256 : i32
    %parallel_loop3A_4 = arith.constant 1 : i32
    %parallel_loop3A_5 = arith.constant 0 : i32
    %parallel_loop3A_6 = scf.for %parallel_loop3A_20 = %parallel_loop3A to %parallel_loop3A_3 step %parallel_loop3A_4 iter_args(%parallel_loop3A_21 = %parallel_loop3A_5) -> (i32)  : i32 {
      %parallel_loop3A_22 = arith.constant 16 : i32
      %parallel_loop3A_23 = arith.muli %parallel_loop3A_20, %parallel_loop3A_22 : i32
      %parallel_loop3A_24 = arith.index_cast %parallel_loop3A_23 : i32 to index
      %parallel_loop3A_25 = tpu.vector_load %arg5[%parallel_loop3A_24] {strides = array<i32>} : memref<4096xi32, #tpu.memory_space<vmem>>, vector<16xi32>,
      %parallel_loop3A_26 = arith.constant 16 : i32
      %parallel_loop3A_27 = arith.muli %parallel_loop3A_20, %parallel_loop3A_26 : i32
      %parallel_loop3A_28 = vector.broadcast %parallel_loop3A_27 : i32 to vector<16xi32>
      %parallel_loop3A_29 = arith.addi %iota3A, %parallel_loop3A_28 : vector<16xi32>
      %parallel_loop3A_30 = vector.broadcast %mul3A_2 : i32 to vector<16xi32>
      %parallel_loop3A_31 = arith.subi %parallel_loop3A_25, %parallel_loop3A_30 : vector<16xi32>
      %parallel_loop3A_32 = arith.constant 0 : i32
      %parallel_loop3A_33 = vector.broadcast %parallel_loop3A_32 : i32 to vector<16xi32>
      %parallel_loop3A_34 = arith.cmpi sge, %parallel_loop3A_31, %parallel_loop3A_33 : vector<16xi32>
      %parallel_loop3A_35 = arith.constant 6256 : i32
      %parallel_loop3A_36 = vector.broadcast %parallel_loop3A_35 : i32 to vector<16xi32>
      %parallel_loop3A_37 = arith.cmpi slt, %parallel_loop3A_31, %parallel_loop3A_36 : vector<16xi32>
      %parallel_loop3A_38 = arith.andi %parallel_loop3A_34, %parallel_loop3A_37 : vector<16xi1>
      tpu.vector_store_idx %arg6[%parallel_loop3A_31], %parallel_loop3A_29 masked %parallel_loop3A_38 : memref<6256xi32, #tpu.memory_space<vmem>>[vector<16xi32>], vector<16xi32>, vector<16xi1>
      scf.yield %parallel_loop3A_21 : i32
    } {sc.loop_unroll_factor = 8 : i64, sc.parallel_access}
    %broadcast_in_dim3A = arith.constant 1 : i32
    %broadcast_in_dim3A_7 = vector.broadcast %broadcast_in_dim3A : i32 to vector<16xi32>
    %while3A = scf.while (%while3A_20 = %broadcast_in_dim3A_7) : (vector<16xi32>) -> vector<16xi32> {
      %reduce_sum3A = arith.constant true
      %reduce_sum3A_21 = vector.broadcast %reduce_sum3A : i1 to vector<16xi1>
      %reduce_sum3A_22 = tpu.scan <sum>, %while3A_20 masked %reduce_sum3A_21 : vector<16xi32>, vector<16xi1> -> vector<16xi32>
      %reduce_sum3A_23 = vector.extract %reduce_sum3A_22[15] : i32 from vector<16xi32>
      %gt3A = arith.constant 0 : i32
      %gt3A_24 = arith.cmpi sgt, %reduce_sum3A_23, %gt3A : i32
      scf.condition(%gt3A_24) %while3A_20 : vector<16xi32>
    } do {
    ^bb0(%while3A_20: vector<16xi32>):
      %broadcast_in_dim3A_21 = arith.constant 0 : i32
      %broadcast_in_dim3A_22 = vector.broadcast %broadcast_in_dim3A_21 : i32 to vector<16xi32>
      %parallel_loop3A_23 = arith.constant 0 : i32
      %parallel_loop3A_24 = arith.constant 256 : i32
      %parallel_loop3A_25 = arith.constant 1 : i32
      %parallel_loop3A_26 = scf.for %parallel_loop3A_27 = %parallel_loop3A_23 to %parallel_loop3A_24 step %parallel_loop3A_25 iter_args(%parallel_loop3A_28 = %broadcast_in_dim3A_22) -> (vector<16xi32>)  : i32 {
        %parallel_loop3A_29 = arith.constant 16 : i32
        %parallel_loop3A_30 = arith.muli %parallel_loop3A_27, %parallel_loop3A_29 : i32
        %parallel_loop3A_31 = arith.index_cast %parallel_loop3A_30 : i32 to index
        %parallel_loop3A_32 = tpu.vector_load %arg5[%parallel_loop3A_31] {strides = array<i32>} : memref<4096xi32, #tpu.memory_space<vmem>>, vector<16xi32>,
        %parallel_loop3A_33 = arith.constant 16 : i32
        %parallel_loop3A_34 = arith.muli %parallel_loop3A_27, %parallel_loop3A_33 : i32
        %parallel_loop3A_35 = vector.broadcast %parallel_loop3A_34 : i32 to vector<16xi32>
        %parallel_loop3A_36 = arith.addi %iota3A, %parallel_loop3A_35 : vector<16xi32>
        %parallel_loop3A_37 = vector.broadcast %mul3A_2 : i32 to vector<16xi32>
        %parallel_loop3A_38 = arith.subi %parallel_loop3A_32, %parallel_loop3A_37 : vector<16xi32>
        %parallel_loop3A_39 = arith.constant 0 : i32
        %parallel_loop3A_40 = vector.broadcast %parallel_loop3A_39 : i32 to vector<16xi32>
        %parallel_loop3A_41 = arith.cmpi sge, %parallel_loop3A_38, %parallel_loop3A_40 : vector<16xi32>
        %parallel_loop3A_42 = arith.constant 6256 : i32
        %parallel_loop3A_43 = vector.broadcast %parallel_loop3A_42 : i32 to vector<16xi32>
        %parallel_loop3A_44 = arith.cmpi slt, %parallel_loop3A_38, %parallel_loop3A_43 : vector<16xi32>
        %parallel_loop3A_45 = arith.andi %parallel_loop3A_41, %parallel_loop3A_44 : vector<16xi1>
        %parallel_loop3A_46 = tpu.vector_load_idx %arg6[%parallel_loop3A_38] masked %parallel_loop3A_45 : memref<6256xi32, #tpu.memory_space<vmem>>[vector<16xi32>], vector<16xi32>, vector<16xi1>
        %parallel_loop3A_47 = arith.cmpi slt, %parallel_loop3A_46, %parallel_loop3A_36 : vector<16xi32>
        %parallel_loop3A_48 = arith.andi %parallel_loop3A_45, %parallel_loop3A_47 : vector<16xi1>
        tpu.vector_store_idx %arg6[%parallel_loop3A_38], %parallel_loop3A_36 masked %parallel_loop3A_48 : memref<6256xi32, #tpu.memory_space<vmem>>[vector<16xi32>], vector<16xi32>, vector<16xi1>
        %parallel_loop3A_49 = tpu.all_reduce %parallel_loop3A_48 {dim = 0 : i64, kind = #tpu.reduction_kind<sum>} : vector<16xi1> -> vector<16xi32>
        %parallel_loop3A_50 = arith.addi %parallel_loop3A_28, %parallel_loop3A_49 : vector<16xi32>
        scf.yield %parallel_loop3A_50 : vector<16xi32>
      } {sc.loop_unroll_factor = 8 : i64, sc.parallel_access}
      scf.yield %parallel_loop3A_26 : vector<16xi32>
    }
    "tpu.region"() ({
      %run_scoped3A = tpu.sem_alloc : memref<!tpu.dma_semaphore, #tpu.memory_space<semaphore_mem>>
      %dma_start3A_20 = tpu.memref_slice %arg9[%mul3A_2] : memref<100096xi32, #tpu.memory_space<vmem_shared>> -> memref<6256xi32, #tpu.memory_space<vmem_shared>>
      %dma_start3A_21 = tpu.memref_slice %arg9[%mul3A_2] : memref<100096xi32, #tpu.memory_space<vmem_shared>> -> memref<6256xi32, #tpu.memory_space<vmem_shared>>
      tpu.enqueue_dma source(%arg6 : memref<6256xi32, #tpu.memory_space<vmem>>) target(%dma_start3A_21 : memref<6256xi32, #tpu.memory_space<vmem_shared>>) target_semaphore(%run_scoped3A : memref<!tpu.dma_semaphore, #tpu.memory_space<semaphore_mem>>)
      %dma_wait3A_22 = tpu.memref_slice %arg9[%mul3A_2] : memref<100096xi32, #tpu.memory_space<vmem_shared>> -> memref<6256xi32, #tpu.memory_space<vmem_shared>>
      %dma_wait3A_23 = tpu.memref_slice %arg9[%mul3A_2] : memref<100096xi32, #tpu.memory_space<vmem_shared>> -> memref<6256xi32, #tpu.memory_space<vmem_shared>>
      tpu.wait_dma2 semaphore(%run_scoped3A : memref<!tpu.dma_semaphore, #tpu.memory_space<semaphore_mem>>) src(%arg6 : memref<6256xi32, #tpu.memory_space<vmem>>) dst(%dma_wait3A_23 : memref<6256xi32, #tpu.memory_space<vmem_shared>>)
      tpu.yield
    }) : () -> ()
    %barrier3A = arith.constant 0 : index
    tpu.barrier barrier_id(%barrier3A)
    %mul3A_8 = arith.constant 128 : i32
    %mul3A_9 = arith.muli %add3A, %mul3A_8 : i32
    %dma_start3A = tpu.memref_slice %arg5[%mul3A_9] : memref<4096xi32, #tpu.memory_space<vmem>> -> memref<128xi32, #tpu.memory_space<vmem>>
    %dma_start3A_10 = arith.constant 0 : i32
    %dma_start3A_11 = tpu.memref_slice %arg9[%dma_start3A_10] : memref<100096xi32, #tpu.memory_space<vmem_shared>> -> memref<100096xi32, #tpu.memory_space<vmem_shared>>
    tpu.enqueue_indirect_dma source(%dma_start3A_11 : memref<100096xi32, #tpu.memory_space<vmem_shared>>) target(%arg7 : memref<128xi32, #tpu.memory_space<vmem>>) offsets(%dma_start3A : memref<128xi32, #tpu.memory_space<vmem>>) semaphore(%arg10 : memref<!tpu.dma_semaphore, #tpu.memory_space<semaphore_mem>>)
    %dma_wait3A = tpu.memref_slice %arg5[%mul3A_9] : memref<4096xi32, #tpu.memory_space<vmem>> -> memref<128xi32, #tpu.memory_space<vmem>>
    %dma_wait3A_12 = arith.constant 0 : i32
    %dma_wait3A_13 = tpu.memref_slice %arg9[%dma_wait3A_12] : memref<100096xi32, #tpu.memory_space<vmem_shared>> -> memref<100096xi32, #tpu.memory_space<vmem_shared>>
    tpu.wait_indirect_dma semaphore(%arg10 : memref<!tpu.dma_semaphore, #tpu.memory_space<semaphore_mem>>) src(%dma_wait3A_13 : memref<100096xi32, #tpu.memory_space<vmem_shared>>) dst(%arg7 : memref<128xi32, #tpu.memory_space<vmem>>)
    %dma_start3A_14 = arith.constant 0 : i32
    %dma_start3A_15 = arith.constant 0 : i32
    %dma_start3A_16 = tpu.memref_slice %arg3[%dma_start3A_14, %dma_start3A_15] : memref<4096x128xf32, #tpu.memory_space<hbm>> -> memref<4096x128xf32, #tpu.memory_space<hbm>>
    tpu.enqueue_indirect_dma source(%dma_start3A_16 : memref<4096x128xf32, #tpu.memory_space<hbm>>) target(%arg8 : memref<128x128xf32, #tpu.memory_space<vmem>>) offsets(%arg7 : memref<128xi32, #tpu.memory_space<vmem>>) semaphore(%arg10 : memref<!tpu.dma_semaphore, #tpu.memory_space<semaphore_mem>>)
    %dma_wait3A_17 = arith.constant 0 : i32
    %dma_wait3A_18 = arith.constant 0 : i32
    %dma_wait3A_19 = tpu.memref_slice %arg3[%dma_wait3A_17, %dma_wait3A_18] : memref<4096x128xf32, #tpu.memory_space<hbm>> -> memref<4096x128xf32, #tpu.memory_space<hbm>>
    tpu.wait_indirect_dma semaphore(%arg10 : memref<!tpu.dma_semaphore, #tpu.memory_space<semaphore_mem>>) src(%dma_wait3A_19 : memref<4096x128xf32, #tpu.memory_space<hbm>>) dst(%arg8 : memref<128x128xf32, #tpu.memory_space<vmem>>)
    "tpu.region"() ({
      %run_scoped3A = tpu.sem_alloc : memref<!tpu.dma_semaphore, #tpu.memory_space<semaphore_mem>>
      %dma_start3A_20 = arith.constant 0 : i32
      %dma_start3A_21 = tpu.memref_slice %arg4[%mul3A_9, %dma_start3A_20] : memref<4096x128xf32, #tpu.memory_space<hbm>> -> memref<128x128xf32, #tpu.memory_space<hbm>>
      %dma_start3A_22 = arith.constant 0 : i32
      %dma_start3A_23 = tpu.memref_slice %arg4[%mul3A_9, %dma_start3A_22] : memref<4096x128xf32, #tpu.memory_space<hbm>> -> memref<128x128xf32, #tpu.memory_space<hbm>>
      tpu.enqueue_dma source(%arg8 : memref<128x128xf32, #tpu.memory_space<vmem>>) target(%dma_start3A_23 : memref<128x128xf32, #tpu.memory_space<hbm>>) target_semaphore(%run_scoped3A : memref<!tpu.dma_semaphore, #tpu.memory_space<semaphore_mem>>)
      %dma_wait3A_24 = arith.constant 0 : i32
      %dma_wait3A_25 = tpu.memref_slice %arg4[%mul3A_9, %dma_wait3A_24] : memref<4096x128xf32, #tpu.memory_space<hbm>> -> memref<128x128xf32, #tpu.memory_space<hbm>>
      %dma_wait3A_26 = arith.constant 0 : i32
      %dma_wait3A_27 = tpu.memref_slice %arg4[%mul3A_9, %dma_wait3A_26] : memref<4096x128xf32, #tpu.memory_space<hbm>> -> memref<128x128xf32, #tpu.memory_space<hbm>>
      tpu.wait_dma2 semaphore(%run_scoped3A : memref<!tpu.dma_semaphore, #tpu.memory_space<semaphore_mem>>) src(%arg8 : memref<128x128xf32, #tpu.memory_space<vmem>>) dst(%dma_wait3A_27 : memref<128x128xf32, #tpu.memory_space<hbm>>)
      tpu.yield
    }) : () -> ()
    return
  }
}

module attributes {stable_mosaic.version = 14 : i64} {
  func.func @_fwd_body(%arg0: i32, %arg1: memref<2048x512xf32, #tpu.memory_space<vmem>>, %arg2: memref<4x128x256xf32, #tpu.memory_space<vmem>>, %arg3: memref<1024x10xf32, #tpu.memory_space<vmem>>, %arg4: memref<10xf32, #tpu.memory_space<vmem>>, %arg5: memref<2048x128xf32, #tpu.memory_space<vmem>>) attributes {dimension_semantics = [#tpu.dimension_semantics<arbitrary>], iteration_bounds = array<i64: 2>, scalar_prefetch = 0 : i64, scratch_operands = 0 : i64, tpu.core_type = #tpu.core_type<tc>, window_params = [{transform_indices = @transform_0, window_bounds = array<i64: 2048, 512>}, {pipeline_mode = #tpu.pipeline_mode<synchronous>, transform_indices = @transform_1, window_bounds = array<i64: 4, 128, 256>}, {pipeline_mode = #tpu.pipeline_mode<synchronous>, transform_indices = @transform_2, window_bounds = array<i64: 1024, 10>}, {pipeline_mode = #tpu.pipeline_mode<synchronous>, transform_indices = @transform_3, window_bounds = array<i64: 10>}, {transform_indices = @transform_4, window_bounds = array<i64: 2048, 128>}]} {
    %get3A = arith.constant 0 : index
    %get3A_0 = arith.constant 0 : index
    %get3A_1 = arith.constant 0 : index
    %get3A_2 = vector.load %arg2[%get3A, %get3A_0, %get3A_1] : memref<4x128x256xf32, #tpu.memory_space<vmem>>, vector<1x128x256xf32>
    %get3A_3 = vector.shape_cast %get3A_2 : vector<1x128x256xf32> to vector<128x256xf32>
    %get3A_4 = arith.constant 0 : index
    %get3A_5 = arith.constant 0 : index
    %get3A_6 = vector.load %arg3[%get3A_4, %get3A_5] : memref<1024x10xf32, #tpu.memory_space<vmem>>, vector<256x10xf32>
    %dot_general3A = arith.constant dense<0.000000e+00> : vector<128x10xf32>
    %dot_general3A_7 = tpu.matmul %get3A_3, %get3A_6, %dot_general3A {dimension_numbers = #tpu.dot_dimension_numbers<[1], [0], [0], [1], [0, 0, 1, 1], [], []>, transpose_lhs_hint = false} : vector<128x256xf32>, vector<256x10xf32>, vector<128x10xf32> -> vector<128x10xf32>
    %get3A_8 = arith.constant 1 : index
    %get3A_9 = arith.constant 0 : index
    %get3A_10 = arith.constant 0 : index
    %get3A_11 = vector.load %arg2[%get3A_8, %get3A_9, %get3A_10] : memref<4x128x256xf32, #tpu.memory_space<vmem>>, vector<1x128x256xf32>
    %get3A_12 = vector.shape_cast %get3A_11 : vector<1x128x256xf32> to vector<128x256xf32>
    %get3A_13 = arith.constant 256 : index
    %get3A_14 = arith.constant 0 : index
    %get3A_15 = vector.load %arg3[%get3A_13, %get3A_14] : memref<1024x10xf32, #tpu.memory_space<vmem>>, vector<256x10xf32>
    %dot_general3A_16 = arith.constant dense<0.000000e+00> : vector<128x10xf32>
    %dot_general3A_17 = tpu.matmul %get3A_12, %get3A_15, %dot_general3A_16 {dimension_numbers = #tpu.dot_dimension_numbers<[1], [0], [0], [1], [0, 0, 1, 1], [], []>, transpose_lhs_hint = false} : vector<128x256xf32>, vector<256x10xf32>, vector<128x10xf32> -> vector<128x10xf32>
    %get3A_18 = arith.constant 2 : index
    %get3A_19 = arith.constant 0 : index
    %get3A_20 = arith.constant 0 : index
    %get3A_21 = vector.load %arg2[%get3A_18, %get3A_19, %get3A_20] : memref<4x128x256xf32, #tpu.memory_space<vmem>>, vector<1x128x256xf32>
    %get3A_22 = vector.shape_cast %get3A_21 : vector<1x128x256xf32> to vector<128x256xf32>
    %get3A_23 = arith.constant 512 : index
    %get3A_24 = arith.constant 0 : index
    %get3A_25 = vector.load %arg3[%get3A_23, %get3A_24] : memref<1024x10xf32, #tpu.memory_space<vmem>>, vector<256x10xf32>
    %dot_general3A_26 = arith.constant dense<0.000000e+00> : vector<128x10xf32>
    %dot_general3A_27 = tpu.matmul %get3A_22, %get3A_25, %dot_general3A_26 {dimension_numbers = #tpu.dot_dimension_numbers<[1], [0], [0], [1], [0, 0, 1, 1], [], []>, transpose_lhs_hint = false} : vector<128x256xf32>, vector<256x10xf32>, vector<128x10xf32> -> vector<128x10xf32>
    %get3A_28 = arith.constant 3 : index
    %get3A_29 = arith.constant 0 : index
    %get3A_30 = arith.constant 0 : index
    %get3A_31 = vector.load %arg2[%get3A_28, %get3A_29, %get3A_30] : memref<4x128x256xf32, #tpu.memory_space<vmem>>, vector<1x128x256xf32>
    %get3A_32 = vector.shape_cast %get3A_31 : vector<1x128x256xf32> to vector<128x256xf32>
    %get3A_33 = arith.constant 768 : index
    %get3A_34 = arith.constant 0 : index
    %get3A_35 = vector.load %arg3[%get3A_33, %get3A_34] : memref<1024x10xf32, #tpu.memory_space<vmem>>, vector<256x10xf32>
    %dot_general3A_36 = arith.constant dense<0.000000e+00> : vector<128x10xf32>
    %dot_general3A_37 = tpu.matmul %get3A_32, %get3A_35, %dot_general3A_36 {dimension_numbers = #tpu.dot_dimension_numbers<[1], [0], [0], [1], [0, 0, 1, 1], [], []>, transpose_lhs_hint = false} : vector<128x256xf32>, vector<256x10xf32>, vector<128x10xf32> -> vector<128x10xf32>
    %concatenate3A = tpu.concatenate %dot_general3A_7, %dot_general3A_17, %dot_general3A_27, %dot_general3A_37 in 0 : vector<128x10xf32>, vector<128x10xf32>, vector<128x10xf32>, vector<128x10xf32> -> vector<512x10xf32>
    %get3A_38 = arith.constant 0 : index
    %get3A_39 = arith.constant 0 : index
    %get3A_40 = vector.load %arg1[%get3A_38, %get3A_39] : memref<2048x512xf32, #tpu.memory_space<vmem>>, vector<2048x512xf32>
    %dot_general3A_41 = arith.constant dense<0.000000e+00> : vector<2048x10xf32>
    %dot_general3A_42 = tpu.matmul %get3A_40, %concatenate3A, %dot_general3A_41 {dimension_numbers = #tpu.dot_dimension_numbers<[1], [0], [0], [1], [0, 0, 1, 1], [], []>, transpose_lhs_hint = false} : vector<2048x512xf32>, vector<512x10xf32>, vector<2048x10xf32> -> vector<2048x10xf32>
    %get3A_43 = arith.constant 0 : index
    %get3A_44 = vector.load %arg4[%get3A_43] : memref<10xf32, #tpu.memory_space<vmem>>, vector<10xf32>
    %broadcast_in_dim3A = vector.shape_cast %get3A_44 : vector<10xf32> to vector<1x10xf32>
    %add3A = vector.broadcast %broadcast_in_dim3A : vector<1x10xf32> to vector<2048x10xf32>
    %add3A_45 = arith.addf %dot_general3A_42, %add3A : vector<2048x10xf32>
    %broadcast_in_dim3A_46 = arith.constant 0.000000e+00 : f32
    %broadcast_in_dim3A_47 = vector.broadcast %broadcast_in_dim3A_46 : f32 to vector<2048x118xf32>
    %concatenate3A_48 = tpu.concatenate %add3A_45, %broadcast_in_dim3A_47 in 1 : vector<2048x10xf32>, vector<2048x118xf32> -> vector<2048x128xf32>
    %swap3A = arith.constant 0 : index
    %swap3A_49 = arith.constant 0 : index
    %swap3A_50 = vector.load %arg5[%swap3A, %swap3A_49] : memref<2048x128xf32, #tpu.memory_space<vmem>>, vector<2048x128xf32>
    tpu.vector_store %arg5[%swap3A, %swap3A_49], %concatenate3A_48 {strides = array<i32>} : memref<2048x128xf32, #tpu.memory_space<vmem>>, vector<2048x128xf32>,
    return
  }
  func.func @transform_0(%arg0: i32) -> (i32, i32) {
    %c0_i32 = arith.constant 0 : i32
    %c0_i32_0 = arith.constant 0 : i32
    return %arg0, %c0_i32 : i32, i32
  }
  func.func @transform_1(%arg0: i32) -> (i32, i32, i32) {
    %c0_i32 = arith.constant 0 : i32
    %c0_i32_0 = arith.constant 0 : i32
    %c0_i32_1 = arith.constant 0 : i32
    %c0_i32_2 = arith.constant 0 : i32
    return %c0_i32, %c0_i32_0, %c0_i32_1 : i32, i32, i32
  }
  func.func @transform_2(%arg0: i32) -> (i32, i32) {
    %c0_i32 = arith.constant 0 : i32
    %c0_i32_0 = arith.constant 0 : i32
    %c0_i32_1 = arith.constant 0 : i32
    return %c0_i32, %c0_i32_0 : i32, i32
  }
  func.func @transform_3(%arg0: i32) -> i32 {
    %c0_i32 = arith.constant 0 : i32
    %c0_i32_0 = arith.constant 0 : i32
    return %c0_i32 : i32
  }
  func.func @transform_4(%arg0: i32) -> (i32, i32) {
    %c0_i32 = arith.constant 0 : i32
    %c0_i32_0 = arith.constant 0 : i32
    return %arg0, %c0_i32 : i32, i32
  }
}

module attributes {stable_mosaic.version = 14 : i64} {
  func.func @_loss_body(%arg0: memref<4096x10xf32, #tpu.memory_space<vmem>>, %arg1: memref<4096x10xf32, #tpu.memory_space<vmem>>, %arg2: memref<1x1xf32, #tpu.memory_space<vmem>>) attributes {dimension_semantics = [], scalar_prefetch = 0 : i64, scratch_operands = 0 : i64, tpu.core_type = #tpu.core_type<tc>} {
    %get3A = arith.constant 0 : index
    %get3A_0 = arith.constant 0 : index
    %get3A_1 = vector.load %arg0[%get3A, %get3A_0] : memref<4096x10xf32, #tpu.memory_space<vmem>>, vector<4096x10xf32>
    %get3A_2 = arith.constant 0 : index
    %get3A_3 = arith.constant 0 : index
    %get3A_4 = vector.load %arg1[%get3A_2, %get3A_3] : memref<4096x10xf32, #tpu.memory_space<vmem>>, vector<4096x10xf32>
    %sub3A = arith.subf %get3A_1, %get3A_4 : vector<4096x10xf32>
    %mul3A = arith.mulf %sub3A, %sub3A : vector<4096x10xf32>
    %reduce_sum3A = vector.shape_cast %mul3A : vector<4096x10xf32> to vector<1x4096x10xf32>
    %reduce_sum3A_5 = arith.constant dense<0.000000e+00> : vector<1xf32>
    %reduce_sum3A_6 = vector.multi_reduction <add>, %reduce_sum3A, %reduce_sum3A_5 [1, 2] : vector<1x4096x10xf32> to vector<1xf32>
    %reduce_sum3A_7 = vector.shape_cast %reduce_sum3A_6 : vector<1xf32> to vector<1x1x1xf32>
    %reduce_sum3A_8 = vector.extract %reduce_sum3A_7[0, 0, 0] : f32 from vector<1x1x1xf32>
    %mul3A_9 = arith.constant 2.44140629E-5 : f32
    %mul3A_10 = arith.mulf %reduce_sum3A_8, %mul3A_9 : f32
    %reshape3A = vector.broadcast %mul3A_10 : f32 to vector<1x1xf32>
    %swap3A = arith.constant 0 : index
    %swap3A_11 = arith.constant 0 : index
    %swap3A_12 = vector.load %arg2[%swap3A, %swap3A_11] : memref<1x1xf32, #tpu.memory_space<vmem>>, vector<1x1xf32>
    tpu.vector_store %arg2[%swap3A, %swap3A_11], %reshape3A {strides = array<i32>} : memref<1x1xf32, #tpu.memory_space<vmem>>, vector<1x1xf32>,
    return
  }
}

</mosaic_0001>

<sc_bundles>
// kernel: kernel.5.cloned.1.call-start
scs
__scs_entry_jumppad:
0x0: {  	(pc) =	sbr.rel $0x88, $3  }
0x1: {  	(tag) =	ssettag $0x0;
	lr =	simm.s32 $0x1  }
0x2: {  	[smem:$0x3F9B] =	sst lr;
	_ =	strace $0xD0000000  }
0x3: {  	_ = 	snop  }
0x4: {  	_ = 	snop  }
0x5: {  	_ = 	snop  }
0x6: {  	_ = 	snop  }
0x7: {  	_ = 	snop  }
__scs_overlays_trampoline_lowered:
0x8: {  	[smem:$0x3FAA] =	sst s0  }
0x9: {  	[smem:$0x3FAB] =	sst s1  }
0xa: {  	[smem:$0x3FAC] =	sst s2  }
0xb: {  	[smem:$0x3FAD] =	sst s3  }
0xc: {  	[smem:$0x3FAE] =	sst s4  }
0xd: {  	[smem:$0x3FAF] =	sst s5  }
0xe: {  	[smem:$0x3FB0] =	sst s6  }
0xf: {  	[smem:$0x3FB1] =	sst s7  }
0x10: {  	[smem:$0x3FB2] =	sst s8  }
0x11: {  	[smem:$0x3FB3] =	sst s9;
	s0 =	simm.s32 @!p0 $0x0  }
0x12: {  	s1 =	sld [smem:$0x3F99];
	s0 =	simm.s32 @p0 $0x1  }
0x13: {  	[smem:$0x3FB4] =	sst s0;
	s0 =	simm.s32 @!p1 $0x0  }
0x14: {  	s2 =	sld [smem:$0x3F98];
	s0 =	simm.s32 @p1 $0x1  }
0x15: {  	[smem:$0x3FB5] =	sst s0;
	s0 =	simm.s32 @!p2 $0x0  }
0x16: {  	s3 =	sld [smem:$0x3FDB];
	s0 =	simm.s32 @p2 $0x1  }
0x17: {  	s4 =	simm.s32 $0x1BF5;
	[smem:$0x3FB7] =	sst s0  }
0x18: {  	s0 =	sld [smem:$0x3F9A];
	_ =	swait.ge [sflag:s4], $0x0  }
0x19: {  	s7 =	sld [smem:$0x3F9B]  }
0x1a: {  	s8 =	sadd.s32 $0xFFFFE003, lr  }
0x1b: {  	s9 =	sadd.s32 $0xFFFFFEF7, lr;
	s5 =	simm.s32 $0xFFFFFFFF;
	p2 =	slt.u32 s8, $0xFFFFF086  }
0x1c: {  	p1 =	slt.u32 s9, $0xF7A;
	s5 =	simm.s32 @!p2 $0x0  }
0x1d: {  	s5 =	simm.s32 @p1 $0x1;
	p0 =	seq.s32 s7, s2  }
0x1e: {  	s7 =	smul.u32 @!p0 $0xF7A, s2;
	p2 =	seq.s32 @!p0 s5, $0x0  }
0x1f: {  	s9 =	smul.u32 $0xF7A, s1;
	s8 =	simm.s32 @!p0 $0x1BF5;
	p2 =	por !p2, p0  }
0x20: {  	[sflag:s8] =	ssyncset.s32 @!p0 $0xFFFFF086;
	s6 =	sadd.s32 @!p0 s3, s7;
	s7 =	simm.s32 @!p0 $0x108  }
0x21: {  	s3 =	sadd.s32 s3, s9;
	s6 =	sadd.s32 @!p0 $0x88, s6;
	s7 =	simm.s32 @p2 $0x1082  }
0x22: {  	[simem:s7], [sflag:s8] =	dma.local @!p0 [hbm:s6], $0xF7A  }
0x23: {  	s9 =	sor.u32 $0xD0000000, s2;
	s6 =	simm.s32 $0x108;
	_ =	swait.ge @!p0 [sflag:s8], $0x0  }
0x24: {  	s3 =	sadd.s32 $0x88, s3;
	s6 =	simm.s32 @!p1 $0x1082;
	[sflag:s4] =	ssyncset.s32 $0xFFFFF086  }
0x25: {  	[simem:s6], [sflag:s4] =	dma.local [hbm:s3], $0xF7A  }
0x26: {  	[smem:$0x3F9B] =	sst s1;
	(tag) =	ssettag s2;
	_ =	strace s9  }
0x27: {  	s1 =	sld [smem:$0x3FAB]  }
0x28: {  	s2 =	sld [smem:$0x3FAC]  }
0x29: {  	s4 =	sld [smem:$0x3FAE]  }
0x2a: {  	p0 =	seq.s32 s5, $0x0;
	s5 =	sld [smem:$0x3FAF]  }
0x2b: {  	s6 =	sld [smem:$0x3FB0]  }
0x2c: {  	s7 =	sld [smem:$0x3FB1]  }
0x2d: {  	s3 =	simm.s32 $0x108;
	s8 =	sld [smem:$0x3FB2]  }
0x2e: {  	s3 =	simm.s32 @!p0 $0x1082;
	s9 =	sld [smem:$0x3FB3]  }
0x2f: {  	lr =	sadd.s32 s0, s3;
	s0 =	sld [smem:$0x3FAA]  }
0x30: {  	s3 =	sld [smem:$0x3FAD]  }
0x31: {  	[smem:$0x3FB6] =	sst s10  }
0x32: {  	s10 =	sld [smem:$0x3FB4];
	_ =	sdelay $0x3  }
0x33: {  	p0 =	seq.s32 s10, $0x1;
	s10 =	sld [smem:$0x3FB6];
	_ =	sdelay $0x3  }
0x34: {  	[smem:$0x3FB6] =	sst s10  }
0x35: {  	s10 =	sld [smem:$0x3FB5];
	_ =	sdelay $0x3  }
0x36: {  	p1 =	seq.s32 s10, $0x1;
	s10 =	sld [smem:$0x3FB6];
	_ =	sdelay $0x3  }
0x37: {  	[smem:$0x3FB6] =	sst s10  }
0x38: {  	s10 =	sld [smem:$0x3FB7]  }
0x39: {  	_ = 	snop;
	(pc) =	sbr.ind lr, $3  }
0x3a: {  	_ = 	snop  }
0x3b: {  	_ = 	snop  }
0x3c: {  	p2 =	seq.s32 s10, $0x1;
	s10 =	sld [smem:$0x3FB6]  }
0x3d: {  	_ =	shalt  }
0x3e: {  	_ =	shalt  }
0x3f: {  	_ =	shalt  }
0x40: {  	_ =	shalt  }
0x41: {  	_ =	shalt  }
0x42: {  	_ =	shalt  }
0x43: {  	_ =	shalt  }
0x44: {  	_ =	shalt  }
0x45: {  	_ =	shalt  }
0x46: {  	_ =	shalt  }
0x47: {  	_ =	shalt  }
0x48: {  	_ =	shalt  }
0x49: {  	_ =	shalt  }
0x4a: {  	_ =	shalt  }
0x4b: {  	_ =	shalt  }
0x4c: {  	_ =	shalt  }
0x4d: {  	_ =	shalt  }
0x4e: {  	_ =	shalt  }
0x4f: {  	_ =	shalt  }
0x50: {  	_ =	shalt  }
0x51: {  	_ =	shalt  }
0x52: {  	_ =	shalt  }
0x53: {  	_ =	shalt  }
0x54: {  	_ =	shalt  }
0x55: {  	_ =	shalt  }
0x56: {  	_ =	shalt  }
0x57: {  	_ =	shalt  }
0x58: {  	_ =	shalt  }
0x59: {  	_ =	shalt  }
0x5a: {  	_ =	shalt  }
0x5b: {  	_ =	shalt  }
0x5c: {  	_ =	shalt  }
0x5d: {  	_ =	shalt  }
0x5e: {  	_ =	shalt  }
0x5f: {  	_ =	shalt  }
0x60: {  	_ =	shalt  }
0x61: {  	_ =	shalt  }
0x62: {  	_ =	shalt  }
0x63: {  	_ =	shalt  }
0x64: {  	_ =	shalt  }
0x65: {  	_ =	shalt  }
0x66: {  	_ =	shalt  }
0x67: {  	_ =	shalt  }
0x68: {  	_ =	shalt  }
0x69: {  	_ =	shalt  }
0x6a: {  	_ =	shalt  }
0x6b: {  	_ =	shalt  }
0x6c: {  	_ =	shalt  }
0x6d: {  	_ =	shalt  }
0x6e: {  	_ =	shalt  }
0x6f: {  	_ =	shalt  }
0x70: {  	_ =	shalt  }
0x71: {  	_ =	shalt  }
0x72: {  	_ =	shalt  }
0x73: {  	_ =	shalt  }
0x74: {  	_ =	shalt  }
0x75: {  	_ =	shalt  }
0x76: {  	_ =	shalt  }
0x77: {  	_ =	shalt  }
0x78: {  	_ =	shalt  }
0x79: {  	_ =	shalt  }
0x7a: {  	_ =	shalt  }
0x7b: {  	_ =	shalt  }
0x7c: {  	_ =	shalt  }
0x7d: {  	_ =	shalt  }
0x7e: {  	_ =	shalt  }
0x7f: {  	_ =	shalt  }
0x80: {  	_ =	shalt  }
0x81: {  	_ =	shalt  }
0x82: {  	_ =	shalt  }
0x83: {  	_ =	shalt  }
0x84: {  	_ =	shalt  }
0x85: {  	_ =	shalt  }
0x86: {  	_ =	shalt  }
0x87: {  	_ =	shalt  }
.Lfunc_end0:
.L_simem_size_0:
called_computation_lowered:
.L_overlay_start_0:
0x88: {  	s2 =	sld [smem:$0x3FD9]  }
0x89: {  	s3 =	sld [smem:$0x3FFE];
	_ =	sdelay $0x1  }
0x8a: {  	s1 =	srdreg.scid  }
0x8b: {  	s0 =	sand.u32 $0x1, s1  }
0x8c: {  	s17 =	sshll.u32 s0, $0xA;
	s2 =	sadd.s32 s3, s2  }
0x8d: {  	s2 =	sadd.s32 s2, s17  }
0x8e: {  	[smem:$0x3FC2] =	sst s2  }
0x8f: {  	_ = 	snop  }
0x90: {  	s2 =	sld [smem:$0x3FC4];
	(tm) =	ssettm $0x1  }
0x91: {  	s18 =	sld [smem:$0x3FFB];
	_ =	sdelay $0x3  }
0x92: {  	_ =	strace s18  }
0x93: {  	s3 =	sld [smem:$0x3FFC];
	_ =	sdelay $0x3  }
0x94: {  	_ =	strace s3  }
0x95: {  	s3 =	sld [smem:$0x3FFD];
	_ =	sdelay $0x3  }
0x96: {  	_ =	strace s3  }
0x97: {  	_ =	strace $0x8FFFFFFF  }
0x98: {  	s19 =	sld [smem:$0x3FDB];
	_ =	sdelay $0x1  }
0x99: {  	s4 =	simm.s32 $_scs_section_size  }
0x9a: {  	s5 =	simm.s32 $_size__tile_overlayer_lowered;
	s6 =	simm.s32 $_tile_overlayer_lowered  }
0x9b: {  	s22 =	simm.s32 $0x1BFF;
	s21 =	sshll.u32 s6, $0x1;
	s3 =	sadd.s32 s4, s19  }
0x9c: {  	s7 =	simm.s32 $0x0;
	s20 =	sshll.u32 s5, $0x1;
	s5 =	sadd.s32 s21, s3  }
0x9d: {  	[timem:s7], [sflag:s22] =	dma.local [hbm:s5], s20  }
0x9e: {  	_ =	swait.ge [sflag:s22], s20  }
0x9f: {  	s4 =	ssub.s32 $0x0, s20;
	[sflag:s22] =	ssyncset.done $0x0  }
0xa0: {  	[sflag:s22] =	ssyncadd.s32 s4;
	_ =	sdelay $0x1  }
0xa1: {  	s23 =	simm.s32 $0x1B8B  }
0xa2: {  	_ =	swait.ge [sflag:s23], $0x1  }
0xa3: {  	[sflag:s23] =	ssyncset.done $0x0  }
0xa4: {  	s25 =	simm.s32 $0x1B8E;
	s24 =	sld [smem:$0x3FFE];
	[sflag:s23] =	ssyncadd.s32 $0xFFFFFFFF  }
0xa5: {  	s26 =	simm.s32 $execute0_lowered;
	[smem:$0x3FD2] =	sst s25  }
0xa6: {  	s5 =	sshll.u32 s26, $0x1;
	_ =	strace $0x80000046;
	[dreg:$0x1] =	wrdreg $0xFFFFFFFF  }
0xa7: {  	s28 =	simm.s32 $_size_execute0_lowered;
	s3 =	sadd.s32 s3, s5;
	[dreg:$0x0] =	wrdreg $0x0  }
0xa8: {  	s5 =	sshll.u32 s28, $0x1;
	[dreg:$0x2] =	wrdreg s3  }
0xa9: {  	[dreg:$0x3] =	wrdreg s5  }
0xaa: {  	[dreg:$0x4] =	wrdreg $0xC0  }
0xab: {  	_ =	task [dreg:s7], $0x5FFFF  }
0xac: {  	[dreg:$0x1] =	wrdreg $0xFFFFFFFF  }
0xad: {  	[dreg:$0x0] =	wrdreg $0x60  }
0xae: {  	[dreg:$0x2] =	wrdreg s2  }
0xaf: {  	[dreg:$0x3] =	wrdreg s24  }
0xb0: {  	[dreg:$0x4] =	wrdreg $0x69000  }
0xb1: {  	[dreg:$0x5] =	wrdreg $0x9  }
0xb2: {  	_ =	task.clear_ibuf [dreg:s7], $0x6FFFF;
	_ =	strace $0x90000046  }
0xb3: {  	s29 =	simm.s32 $0x9;
	_ =	strace $0x80000048  }
0xb4: {  	_ =	swait.ge [sflag:s29], $0x1  }
0xb5: {  	[sflag:s29] =	ssyncadd.s32 $0xFFFFFFFF  }
0xb6: {  	_ =	strace $0x90000048  }
0xb7: {  	_ =	sfence  }
0xb8: {  	s30 =	sld [smem:$0x0];
	_ =	sdelay $0x2  }
0xb9: {  	s31 =	sshll.u32 s1, $0xD;
	s1 =	sshrl.u32 s1, $0x2  }
0xba: {  	s3 =	sand.u32 $0x4000, s31;
	s1 =	sadd.s32 s1, s30  }
0xbb: {  	s0 =	sor.u32 s3, s0;
	s1 =	sshll.u32 s1, $0x11  }
0xbc: {  	s0 =	sor.u32 s1, s0  }
0xbd: {  	s0 =	sadd.s32 $0x8F2B, s0  }
0xbe: {  	[sflag:s0] =	ssyncadd.remote.s32 $0x1  }
0xbf: {  	_ =	sfence.sel $0xFFFF  }
0xc0: {  	[dreg:$0x0] =	wrdreg $0xFFFFFFFF;
	(pc) =	sbr.abs _section_cstart, $3  }
0xc1: {  	[dreg:$0x1] =	wrdreg $0xFFFFFFFF  }
0xc2: {  	_ =	task.clear_ibuf [dreg:s7], $0x2FFFF;
	_ =	strace $0x9FFFFFFF  }
0xc3: {  	(tm) =	ssettm $0x7FFFFFFF  }
tec
execute0_lowered:
.L_overlay_start_1:
0x0: {  	(tag) =	ssettag $0x1  }
0x1: {  	s1 =	rddreg [dreg:$0x0]  }
0x2: {  	s7 =	rddreg [dreg:$0x1]  }
0x3: {  	s2 =	rddreg [dreg:$0x2];
	s3 =	simm.s32 $0x0  }
0x4: {  	[smem:$0x7FF] =	sst s3  }
0x5: {  	s0 =	rddreg [dreg:$0x3];
	v0 =	vimm.s32 $0x1;
	_ =	strace $0x80000047  }
0x6: {  	(xrf0) =	vadd.scan.msk.s32 $0xffff, v0;
	_ =	sdelay $0x5  }
0x7: {  	v0, _, _ =	vpop (xrf0)  }
0x8: {  	(v2sf) =	vpush v0, $0xF;
	_ =	sdelay $0x7  }
0x9: {  	s5 =	srdreg.scid;
	s4 =	stileid.u32  }
0xa: {  	s11 =	simm.s32 $0x1000;
	s13 =	simm.s32 $0x2880;
	s6 =	sand.u32 $0x1, s5  }
0xb: {  	s15 =	simm.s32 $0x2900;
	s30 =	sshll.u32 s4, $0x8;
	s8 =	sshll.u32 s6, $0x7  }
0xc: {  	s16 =	simm.s32 $0x0;
	s14 =	smul.u32 $0x1870, s4;
	s5 =	sor.u32 s8, s30  }
.Ltmp0:
0xd: {  	s31 =	ssub.s32 $0x2, s6;
	s9 =	sshll.u32 s5, $0x4;
	(pc) =	sbr.rel .LBB2_1-.Ltmp0, $4  }
0xe: {  	s6 =	sadd.s32 $0x1000, s7;
	s10 =	sshrl.u32 s31, $0x1;
	s9 =	sadd.s32 s9, s7  }
0xf: {  	s10 =	ssub.s32 s31, s10;
	s7 =	sadd.s32 s14, s2;
	s8 =	sadd.s32 $0x11000, s9  }
0x10: {  	s9 =	smax.u32 s10, $0x1;
	s10 =	simm.s32 $0x2;
	s12 =	spop (v2sf)  }
0x11: {  	v1 =	vlaneseq.u32;
	v0 =	vmov s14;
	s14 =	simm.s32 $0x1;
	p0 =	slt.s32 s12, $0x1;
	s12 =	simm.s32 $0x80  }
.LBB2_6:
0x12: {  	[spmem:s7] =	stream.linear.scatter [tilespmem:s11], [sflag:$0x2], $0x1870, $0x38;
	[tilespmem:$0x8170] =	vst v63  }
0x13: {  	_ =	swait.ge [sflag:s10], $0x1870  }
0x14: {  	[sflag:s10] =	ssyncset.done $0x0  }
0x15: {  	[sflag:s10] =	ssyncadd.s32 $0xFFFFE790  }
0x16: {  	[bflag:$0x0] =	sbarrier.arrive $0xFFFF  }
0x17: {  	[tilespmem:s13], [sflag:$0x1] =	stream.indirect.gather [spmem:s2], $0x1, s5, s12, $0xb8;
	[tilespmem:$0x8170] =	vst v63  }
0x18: {  	_ =	swait.ge [sflag:s14], $0x80  }
0x19: {  	[sflag:s14] =	ssyncset.done $0x0  }
0x1a: {  	[sflag:s14] =	ssyncadd.s32 $0xFFFFFF80  }
0x1b: {  	[tilespmem:s15], [sflag:$0x1] =	stream.indirect.gather [hbm4b:s6+s12], $0x80, s13, s12, $0xb8;
	[tilespmem:$0x8170] =	vst v63  }
0x1c: {  	s16 =	sadd.s32 $0x1, s16;
	_ =	swait.ge [sflag:s14], $0x4000  }
0x1d: {  	p1 =	sne.s32 s16, s9;
	[sflag:s14] =	ssyncset.done $0x0  }
.Ltmp1:
0x1e: {  	[sflag:s14] =	ssyncadd.s32 $0xFFFFC000;
	(pc) =	sbr.rel @!p1 .LBB2_7-.Ltmp1, $4  }
0x1f: {  	[hbm4b:s8+s3] =	stream.linear.scatter [tilespmem:s15], [sflag:$0x2], $0x4000, $0x38;
	[tilespmem:$0x8170] =	vst v63  }
0x20: {  	_ =	swait.ge [sflag:s10], $0x4000  }
0x21: {  	[sflag:s10] =	ssyncset.done $0x0  }
0x22: {  	[sflag:s10] =	ssyncadd.s32 $0xFFFFC000  }
.LBB2_1:
0x23: {  	[tilespmem:s3], [sflag:$0x2] =	stream.linear.gather [hbm4b:s1+s3], $0x1000, $0x38;
	[tilespmem:$0x8170] =	vst v63  }
0x24: {  	_ =	swait.ge [sflag:s10], $0x1000  }
0x25: {  	[sflag:s10] =	ssyncset.done $0x0  }
0x26: {  	s18 =	simm.s32 $0x40;
	[sflag:s10] =	ssyncadd.s32 $0xFFFFF000  }
0x27: {  	v2 =	vld [tilespmem:s18+$0x30]  }
0x28: {  	v3 =	vld [tilespmem:s18+$0xFFFFFFC0]  }
0x29: {  	v4 =	vld [tilespmem:s18+$0xFFFFFFD0]  }
0x2a: {  	v5 =	vld [tilespmem:s18+$0xFFFFFFE0]  }
0x2b: {  	v6 =	vld [tilespmem:s18+$0xFFFFFFF0]  }
0x2c: {  	s20 =	simm.s32 $0xC0;
	v8 =	vld [tilespmem:s18+$0x0]  }
0x2d: {  	v13 =	vld [tilespmem:s20+$0x30]  }
0x2e: {  	v9 =	vsub.s32 v2, v0;
	v2 =	vld [tilespmem:s18+$0x10]  }
0x2f: {  	v14 =	vsub.s32 v4, v0;
	v4 =	vld [tilespmem:s18+$0x20];
	vm0 =	vlt.u32 v9, $0x1870  }
0x30: {  	s31 =	simm.s32 $0x10;
	v17 =	vld [tilespmem:s20+$0xFFFFFFC0];
	v16 =	vsub.s32 v3, v0;
	vm1 =	vlt.u32 v14, $0x1870  }
0x31: {  	s19 =	simm.s32 $0x20;
	v19 =	vor.u32 s31, v1;
	v7 =	vsub.s32 v5, v0;
	vm7 =	vlt.u32 v16, $0x1870  }
0x32: {  	s17 =	simm.s32 $0x70;
	v15 =	vor.u32 s19, v1;
	v18 =	vld [tilespmem:s20+$0xFFFFFFD0];
	v5 =	vsub.s32 v6, v0;
	vm3 =	vlt.u32 v7, $0x1870  }
0x33: {  	v10 =	vld [tilespmem:s20+$0xFFFFFFE0];
	v6 =	vsub.s32 v8, v0;
	v8 =	vor.u32 s17, v1;
	vm2 =	vlt.u32 v5, $0x1870  }
0x34: {  	v11 =	vld [tilespmem:s20+$0xFFFFFFF0];
	vm5 =	vlt.u32 v6, $0x1870;
	v3 =	vsub.s32 v2, v0;
	v2 =	vsub.s32 v4, v0  }
0x35: {  	s21 =	simm.s32 $0x0;
	v12 =	vld [tilespmem:s20+$0x0];
	v4 =	vsub.s32 v17, v0;
	vm4 =	vlt.u32 v3, $0x1870;
	[tilespmem:v9+s11+$0x0] =	vst.idx.msk vm0, v8;
	v8 =	vsub.s32 v13, v0  }
0x36: {  	s23 =	simm.s32 $0x30;
	s22 =	simm.s32 $0x40;
	s19 =	simm.s32 $0x60;
	v17 =	vor.u32 s21, v1;
	vm0 =	vlt.u32 v2, $0x1870;
	v13 =	vld [tilespmem:s20+$0x10];
	[tilespmem:v14+s11+$0x0] =	vst.idx.msk vm1, v19;
	vm6 =	vlt.u32 v8, $0x1870  }
0x37: {  	s18 =	simm.s32 $0x8;
	s21 =	simm.s32 $0x50;
	vm1 =	vlt.u32 v4, $0x1870;
	v9 =	vsub.s32 v18, v0;
	v14 =	vld [tilespmem:s20+$0x20];
	s20 =	simm.s32 $0x140;
	[tilespmem:v16+s11+$0x0] =	vst.idx.msk vm7, v17;
	v16 =	vor.u32 s23, v1  }
.LBB2_2:
0x38: {  	v17 =	vld [tilespmem:s20+$0x30];
	s18 =	sadd.s32 $0x8, s18;
	vm7 =	vlt.u32 v9, $0x1870;
	[tilespmem:v7+s11+$0x0] =	vst.idx.msk vm3, v15;
	v7 =	vsub.s32 v10, v0;
	v10 =	vor.u32 s22, v1  }
0x39: {  	s17 =	sadd.s32 $0x80, s17;
	v18 =	vld [tilespmem:s20+$0xFFFFFFC0];
	p1 =	slt.u32 s18, $0xF8;
	vm3 =	vlt.u32 v7, $0x1870;
	[tilespmem:v5+s11+$0x0] =	vst.idx.msk vm2, v16;
	v5 =	vsub.s32 v11, v0;
	v11 =	vor.u32 s21, v1  }
0x3a: {  	v19 =	vor.u32 s19, v1;
	s19 =	sadd.s32 $0xFFFFFFA0, s17;
	v16 =	vld [tilespmem:s20+$0xFFFFFFD0];
	vm2 =	vlt.u32 v5, $0x1870;
	[tilespmem:v6+s11+$0x0] =	vst.idx.msk vm5, v10;
	v6 =	vsub.s32 v12, v0  }
.Ltmp2:
0x3b: {  	s23 =	sadd.s32 $0xFFFFFFB0, s17;
	s24 =	sadd.s32 $0xFFFFFFC0, s17;
	v12 =	vor.u32 s17, v1;
	v10 =	vld [tilespmem:s20+$0xFFFFFFE0];
	vm5 =	vlt.u32 v6, $0x1870;
	[tilespmem:v3+s11+$0x0] =	vst.idx.msk vm4, v11;
	v3 =	vsub.s32 v13, v0;
	(pc) =	sbr.rel @p1 .LBB2_2-.Ltmp2, $4  }
0x3c: {  	s22 =	sadd.s32 $0xFFFFFFD0, s17;
	s21 =	sadd.s32 $0xFFFFFFE0, s17;
	v20 =	vor.u32 s19, v1;
	s19 =	sadd.s32 $0xFFFFFFF0, s17;
	v11 =	vld [tilespmem:s20+$0xFFFFFFF0];
	vm4 =	vlt.u32 v3, $0x1870;
	v13 =	vsub.s32 v14, v0;
	[tilespmem:v8+s11+$0x0] =	vst.idx.msk vm6, v12  }
0x3d: {  	s25 =	sadd.s32 $0xFFFFFF90, s17;
	v15 =	vor.u32 s23, v1;
	v12 =	vld [tilespmem:s20+$0x0];
	v8 =	vsub.s32 v17, v0;
	[tilespmem:v2+s11+$0x0] =	vst.idx.msk vm0, v19;
	vm0 =	vlt.u32 v13, $0x1870;
	v2 =	vmovc v13  }
0x3e: {  	v17 =	vsub.s32 v18, v0;
	v13 =	vld [tilespmem:s20+$0x10];
	vm6 =	vlt.u32 v8, $0x1870;
	v18 =	vor.u32 s25, v1;
	[tilespmem:v9+s11+$0x0] =	vst.idx.msk vm7, v20  }
0x3f: {  	v9 =	vsub.s32 v16, v0;
	v14 =	vld [tilespmem:s20+$0x20];
	s20 =	sadd.s32 $0x80, s20;
	[tilespmem:v4+s11+$0x0] =	vst.idx.msk vm1, v18;
	vm1 =	vlt.u32 v17, $0x1870;
	v16 =	vor.u32 s24, v1;
	v4 =	vmovc v17  }
0x40: {  	_ =	sdelay $0x4  }
0x41: {  	[tilespmem:v7+s11+$0x0] =	vst.idx.msk vm3, v15  }
0x42: {  	vm7 =	vlt.u32 v9, $0x1870;
	v55 =	vsub.s32 v10, v0;
	v56 =	vor.u32 s22, v1;
	[tilespmem:v5+s11+$0x0] =	vst.idx.msk vm2, v16  }
0x43: {  	v58 =	vor.u32 s21, v1;
	s17 =	sadd.s32 $0x80, s17;
	vm11 =	vlt.u32 v55, $0x1870;
	v57 =	vsub.s32 v11, v0;
	[tilespmem:v6+s11+$0x0] =	vst.idx.msk vm5, v56  }
0x44: {  	v60 =	vor.u32 s17, v1;
	[tilespmem:v3+s11+$0x0] =	vst.idx.msk vm4, v58;
	vm12 =	vlt.u32 v57, $0x1870;
	v59 =	vsub.s32 v12, v0  }
0x45: {  	v3 =	vor.u32 s19, v1;
	s26 =	sadd.s32 $0xFFFFFF90, s17;
	[tilespmem:v8+s11+$0x0] =	vst.idx.msk vm6, v60;
	vm13 =	vlt.u32 v59, $0x1870;
	v61 =	vsub.s32 v13, v0  }
0x46: {  	s18 =	sadd.s32 $0xFFFFFFA0, s17;
	[tilespmem:v2+s11+$0x0] =	vst.idx.msk vm0, v3;
	v2 =	vor.u32 s26, v1;
	vm14 =	vlt.u32 v61, $0x1870;
	v63 =	vsub.s32 v14, v0  }
0x47: {  	s28 =	sadd.s32 $0xFFFFFFB0, s17;
	v62 =	vor.u32 s18, v1;
	[tilespmem:v4+s11+$0x0] =	vst.idx.msk vm1, v2;
	vm15 =	vlt.u32 v63, $0x1870  }
0x48: {  	s29 =	sadd.s32 $0xFFFFFFC0, s17;
	v3 =	vor.u32 s28, v1;
	[tilespmem:v9+s11+$0x0] =	vst.idx.msk vm7, v62  }
.Ltmp3:
0x49: {  	s30 =	sadd.s32 $0xFFFFFFD0, s17;
	v2 =	vor.u32 s29, v1;
	[tilespmem:v55+s11+$0x0] =	vst.idx.msk vm11, v3;
	(pc) =	sbr.rel @p0 .LBB2_6-.Ltmp3, $4  }
0x4a: {  	s31 =	sadd.s32 $0xFFFFFFE0, s17;
	v3 =	vor.u32 s30, v1;
	[tilespmem:v57+s11+$0x0] =	vst.idx.msk vm12, v2  }
0x4b: {  	s17 =	sadd.s32 $0xFFFFFFF0, s17;
	v2 =	vor.u32 s31, v1;
	[tilespmem:v59+s11+$0x0] =	vst.idx.msk vm13, v3  }
0x4c: {  	v3 =	vor.u32 s17, v1;
	[tilespmem:v61+s11+$0x0] =	vst.idx.msk vm14, v2  }
0x4d: {  	[tilespmem:v63+s11+$0x0] =	vst.idx.msk vm15, v3  }
0x4e: {  	s17 =	simm.s32 $0x0;
	v2 =	vimm.s32 $0x0  }
.LBB2_5:
0x4f: {  	s18 =	sshll.u32 s17, $0x4  }
0x50: {  	v3 =	vld [tilespmem:s18+$0x0]  }
0x51: {  	v4 =	vld [tilespmem:s18+$0x10]  }
0x52: {  	v5 =	vld [tilespmem:s18+$0x20]  }
0x53: {  	v6 =	vld [tilespmem:s18+$0x30]  }
0x54: {  	v7 =	vld [tilespmem:s18+$0x40]  }
0x55: {  	v3 =	vsub.s32 v3, v0  }
0x56: {  	v8 =	vld [tilespmem:s18+$0x50];
	v4 =	vsub.s32 v4, v0;
	vm0 =	vlt.u32 v3, $0x1870  }
0x57: {  	v9 =	vld [tilespmem:s18+$0x60];
	v5 =	vsub.s32 v5, v0;
	vm1 =	vlt.u32 v4, $0x1870  }
0x58: {  	v10 =	vld [tilespmem:s18+$0x70];
	v6 =	vsub.s32 v6, v0;
	vm4 =	vlt.u32 v5, $0x1870  }
0x59: {  	v7 =	vsub.s32 v7, v0;
	vm7 =	vlt.u32 v6, $0x1870  }
0x5a: {  	vm6 =	vlt.u32 v7, $0x1870  }
0x5b: {  	v8 =	vsub.s32 v8, v0  }
0x5c: {  	v9 =	vsub.s32 v9, v0;
	vm2 =	vlt.u32 v8, $0x1870;
	v11 =	vld.idx.msk [tilespmem:v3+s11+$0x0], vm0  }
0x5d: {  	v10 =	vsub.s32 v10, v0;
	vm3 =	vlt.u32 v9, $0x1870;
	v12 =	vld.idx.msk [tilespmem:v4+s11+$0x0], vm1  }
0x5e: {  	vm5 =	vlt.u32 v10, $0x1870;
	v13 =	vld.idx.msk [tilespmem:v5+s11+$0x0], vm4  }
0x5f: {  	v15 =	vld.idx.msk [tilespmem:v6+s11+$0x0], vm7  }
0x60: {  	s19 =	sor.u32 $0x10, s18;
	s26 =	sor.u32 $0x20, s18;
	v17 =	vld.idx.msk [tilespmem:v7+s11+$0x0], vm6  }
0x61: {  	v14 =	vor.u32 s18, v1;
	s28 =	sor.u32 $0x30, s18;
	s29 =	sor.u32 $0x40, s18;
	s30 =	sor.u32 $0x50, s18;
	v51 =	vor.u32 s19, v1;
	v52 =	vor.u32 s26, v1  }
0x62: {  	s31 =	sor.u32 $0x60, s18;
	s18 =	sor.u32 $0x70, s18;
	v53 =	vor.u32 s28, v1;
	v20 =	vor.u32 s29, v1;
	v57 =	vor.u32 s30, v1;
	v54 =	vld.idx.msk [tilespmem:v8+s11+$0x0], vm2  }
0x63: {  	v59 =	vor.u32 s31, v1;
	v60 =	vor.u32 s18, v1;
	v19 =	vld.idx.msk [tilespmem:v9+s11+$0x0], vm3;
	vm8 =	vlt.s32 v11, v14  }
0x64: {  	v21 =	vld.idx.msk [tilespmem:v10+s11+$0x0], vm5;
	vm13 =	vlt.s32 v12, v51;
	vm14 =	vlt.s32 v13, v52;
	vm15 =	vlt.s32 v15, v53  }
0x65: {  	vm12 =	vlt.s32 v17, v20;
	vm0 =	vmand vm0, vm8;
	vm1 =	vmand vm1, vm13  }
0x66: {  	vm4 =	vmand vm4, vm14;
	vm7 =	vmand vm7, vm15;
	v16 =	vmpcnt.ones.xlane vm0  }
0x67: {  	vm6 =	vmand vm6, vm12;
	vm13 =	vlt.s32 v54, v57;
	v18 =	vmpcnt.ones.xlane vm1  }
0x68: {  	vm14 =	vlt.s32 v19, v59;
	v55 =	vmpcnt.ones.xlane vm4;
	v2 =	vadd.s32 v2, v16  }
0x69: {  	vm15 =	vlt.s32 v21, v60;
	v56 =	vmpcnt.ones.xlane vm7;
	v2 =	vadd.s32 v18, v2  }
0x6a: {  	v58 =	vmpcnt.ones.xlane vm6;
	vm2 =	vmand vm2, vm13;
	v2 =	vadd.s32 v55, v2  }
0x6b: {  	vm3 =	vmand vm3, vm14;
	v61 =	vmpcnt.ones.xlane vm2;
	v2 =	vadd.s32 v56, v2  }
0x6c: {  	vm5 =	vmand vm5, vm15;
	v62 =	vmpcnt.ones.xlane vm3;
	v2 =	vadd.s32 v58, v2  }
0x6d: {  	v63 =	vmpcnt.ones.xlane vm5;
	v2 =	vadd.s32 v61, v2  }
0x6e: {  	v2 =	vadd.s32 v62, v2  }
0x6f: {  	p1 =	slt.u32 s17, $0xF8;
	v2 =	vadd.s32 v63, v2  }
0x70: {  	(xrf0) =	vadd.scan.msk.s32 @!p1 $0xffff, v2;
	_ =	sdelay $0x5  }
0x71: {  	v17, _, _ =	vpop @!p1 (xrf0)  }
0x72: {  	(v2sf) =	vpush @!p1 v17, $0xF;
	_ =	sdelay $0xe  }
0x73: {  	[tilespmem:v3+s11+$0x0] =	vst.idx.msk vm0, v14;
	s18 =	spop @!p1 (v2sf)  }
0x74: {  	[tilespmem:v4+s11+$0x0] =	vst.idx.msk vm1, v51;
	p2 =	slt.s32 @!p1 s18, $0x1  }
0x75: {  	[tilespmem:v5+s11+$0x0] =	vst.idx.msk vm4, v52;
	p2 =	por p1, !p2  }
.Ltmp4:
0x76: {  	[tilespmem:v6+s11+$0x0] =	vst.idx.msk vm7, v53;
	(pc) =	sbr.rel @p2 .LBB2_5-.Ltmp4, $4  }
0x77: {  	[tilespmem:v7+s11+$0x0] =	vst.idx.msk vm6, v20  }
0x78: {  	[tilespmem:v8+s11+$0x0] =	vst.idx.msk vm2, v57  }
0x79: {  	s17 =	sadd.s32 $0x8, s17;
	[tilespmem:v9+s11+$0x0] =	vst.idx.msk vm3, v59  }
0x7a: {  	s17 =	simm.s32 @!p1 $0x0;
	[tilespmem:v10+s11+$0x0] =	vst.idx.msk vm5, v60;
	v2 =	vpsel !p1, $0x0, v2  }
.Ltmp5:
0x7b: {  	_ = 	snop;
	(pc) =	sbr.rel .LBB2_6-.Ltmp5, $1  }
0x7c: {  	_ =	sdelay $0x3  }
.LBB2_7:
0x7d: {  	_ =	sfence.sel $0x180000  }
0x7e: {  	[bflag:$0x0] =	sbarrier.arrive $0xFFFF  }
0x7f: {  	p0 =	sne.s32 s4, $0x0;
	_ =	strace $0x90000047  }
0x80: {  	s0 =	sadd.s32 @!p0 $0x100000, s0;
	[bflag:$0x2] =	sbarrier.arrive $0xFFFF  }
0x81: {  	[sflag:s0] =	ssyncadd.tile.s32 @!p0 $0x1;
	_ =	shalt  }
.Lfunc_end2:
_tile_overlayer_lowered:
.L_overlay_start_2:
0x82: {  	(tag) =	ssettag $0x2  }
0x83: {  	s0 =	rddreg [dreg:$0x0];
	s2 =	stileid.u32  }
0x84: {  	s1 =	rddreg [dreg:$0x1];
	p0 =	sne.s32 s2, $0x0  }
0x85: {  	s3 =	rddreg [dreg:$0x2];
	[bflag:$0x3] =	sbarrier.arrive $0xFFFF;
	s2 =	simm.s32 @!p0 $0x1C02  }
0x86: {  	[timem:s3], [sflag:s2] =	dma.local @!p0 [hbm:s0], s1  }
0x87: {  	s0 =	simm.s32 @!p0 $0x2  }
0x88: {  	_ =	swait.ge @!p0 [sflag:s0], s1  }
0x89: {  	s1 =	ssub.s32 @!p0 $0x0, s1;
	[sflag:s0] =	ssyncset.done @!p0 $0x0  }
0x8a: {  	[sflag:s0] =	ssyncadd.s32 @!p0 s1  }
0x8b: {  	[bflag:$0x3] =	sbarrier.arrive $0xFFFF  }
0x8c: {  	_ =	shalt  }

</sc_bundles>
